<compile_context>
chip_gen: v7x
topology: tpu7x:2x2x1
jax: 0.10.2.dev20260603
libtpu: 0.0.44.dev20260713+nightly
codegen_flags: <defaults>
</compile_context>

<pallas_src>
import functools

import jax
import jax.numpy as jnp
from jax.experimental import pallas as pl
from jax.experimental.pallas import tpu as pltpu
from jax.experimental.pallas import tpu_sc as plsc

_EMBED_DIM = 512

_mesh = plsc.ScalarSubcoreMesh(axis_name="c", num_cores=1)


@functools.partial(
    pl.kernel,
    out_type=(
        jax.ShapeDtypeStruct((_EMBED_DIM,), jnp.float32),
        jax.ShapeDtypeStruct((_EMBED_DIM,), jnp.float32),
        jax.ShapeDtypeStruct((_EMBED_DIM,), jnp.float32),
    ),
    mesh=_mesh,
    scratch_types=[
        pltpu.SMEM((1,), jnp.int32),
        pltpu.SMEM((1,), jnp.int32),
        pltpu.SMEM((1,), jnp.int32),
        pltpu.SemaphoreType.DMA,
        pltpu.SemaphoreType.DMA,
        pltpu.SemaphoreType.DMA,
    ],
)
def _lookup(src_hbm, edge_hbm, dst_hbm, node_tab, edge_tab,
            src_out, edge_out, dst_out,
            src_s, edge_s, dst_s, sem0, sem1, sem2):
    i0 = pltpu.async_copy(src_hbm, src_s, sem0)
    i1 = pltpu.async_copy(edge_hbm, edge_s, sem1)
    i2 = pltpu.async_copy(dst_hbm, dst_s, sem2)
    i0.wait()
    c0 = pltpu.async_copy(node_tab.at[src_s[0]], src_out, sem0)
    i1.wait()
    c1 = pltpu.async_copy(edge_tab.at[edge_s[0]], edge_out, sem1)
    i2.wait()
    c2 = pltpu.async_copy(node_tab.at[dst_s[0]], dst_out, sem2)
    c0.wait()
    c1.wait()
    c2.wait()


def kernel(src_type, edge_type, dst_type, node_type_embed, edge_type_embed):
    src = jnp.asarray(src_type, jnp.int32).reshape((1,))
    edge = jnp.asarray(edge_type, jnp.int32).reshape((1,))
    dst = jnp.asarray(dst_type, jnp.int32).reshape((1,))
    src_embed, edge_embed, dst_embed = _lookup(
        src, edge, dst, node_type_embed, edge_type_embed)
    return (src_embed, edge_embed, dst_embed)

# --- scband reference (transcript-rebuilt; emitter-appended) ---
"""Pipeline reference for scband-relation-type-embedding-850403524850 (READ-ONLY COPY).

The authoritative reference and input builder live on the scoring server;
editing this copy changes nothing except your own understanding.
"""

import jax, jax.numpy as jnp
import numpy as np


def setup_inputs(seed: int = 0) -> dict:
    key = jax.random.key(seed)
    k1, k2 = jax.random.split(key)
    n_node_types, n_edge_types, embed_dim = 64, 256, 512
    return {
        "src_type": 3,
        "edge_type": 7,
        "dst_type": 5,
        "node_type_embed": jax.random.normal(k1, (n_node_types, embed_dim), dtype=jnp.float32),
        "edge_type_embed": jax.random.normal(k2, (n_edge_types, embed_dim), dtype=jnp.float32),
    }


def reference(src_type, edge_type, dst_type, node_type_embed, edge_type_embed):
    # Faithful translation: three single-row embedding lookups.
    src_embed = jnp.take(node_type_embed, src_type, axis=0)
    edge_embed = jnp.take(edge_type_embed, edge_type, axis=0)
    dst_embed = jnp.take(node_type_embed, dst_type, axis=0)
    return (src_embed, edge_embed, dst_embed)

if __name__ == "__main__":
    import jax
    _d = setup_inputs()
    print(jax.jit(kernel)(*tuple(_d.values())))

</pallas_src>

<mosaic_0001>
#map = affine_map<(d0) -> (0)>
#map1 = affine_map<(d0) -> (0, 0)>
module attributes {stable_mosaic.version = 14 : i64} {
  func.func @_lookup(%arg0: i32, %arg1: memref<1xi32, #tpu.memory_space<hbm>>, %arg2: memref<1xi32, #tpu.memory_space<hbm>>, %arg3: memref<1xi32, #tpu.memory_space<hbm>>, %arg4: memref<64x512xf32, #tpu.memory_space<hbm>>, %arg5: memref<256x512xf32, #tpu.memory_space<hbm>>, %arg6: memref<512xf32, #tpu.memory_space<hbm>>, %arg7: memref<512xf32, #tpu.memory_space<hbm>>, %arg8: memref<512xf32, #tpu.memory_space<hbm>>, %arg9: memref<1xi32, #tpu.memory_space<smem>>, %arg10: memref<1xi32, #tpu.memory_space<smem>>, %arg11: memref<1xi32, #tpu.memory_space<smem>>, %arg12: memref<!tpu.dma_semaphore, #tpu.memory_space<semaphore_mem>>, %arg13: memref<!tpu.dma_semaphore, #tpu.memory_space<semaphore_mem>>, %arg14: memref<!tpu.dma_semaphore, #tpu.memory_space<semaphore_mem>>) attributes {dimension_semantics = [#tpu.dimension_semantics<core_parallel>], iteration_bounds = array<i64: 1>, scalar_prefetch = 0 : i64, scratch_operands = 6 : i64, tpu.core_type = #tpu.core_type<sc_scalar_subcore>, window_params = [{transform_indices = #map}, {transform_indices = #map}, {transform_indices = #map}, {transform_indices = #map1}, {transform_indices = #map1}, {transform_indices = #map}, {transform_indices = #map}, {transform_indices = #map}]} {
    tpu.enqueue_dma source(%arg1 : memref<1xi32, #tpu.memory_space<hbm>>) target(%arg9 : memref<1xi32, #tpu.memory_space<smem>>) target_semaphore(%arg12 : memref<!tpu.dma_semaphore, #tpu.memory_space<semaphore_mem>>)
    tpu.enqueue_dma source(%arg2 : memref<1xi32, #tpu.memory_space<hbm>>) target(%arg10 : memref<1xi32, #tpu.memory_space<smem>>) target_semaphore(%arg13 : memref<!tpu.dma_semaphore, #tpu.memory_space<semaphore_mem>>)
    tpu.enqueue_dma source(%arg3 : memref<1xi32, #tpu.memory_space<hbm>>) target(%arg11 : memref<1xi32, #tpu.memory_space<smem>>) target_semaphore(%arg14 : memref<!tpu.dma_semaphore, #tpu.memory_space<semaphore_mem>>)
    tpu.wait_dma2 semaphore(%arg12 : memref<!tpu.dma_semaphore, #tpu.memory_space<semaphore_mem>>) src(%arg1 : memref<1xi32, #tpu.memory_space<hbm>>) dst(%arg9 : memref<1xi32, #tpu.memory_space<smem>>)
    %get3A = arith.constant 0 : i32
    %get3A_0 = arith.index_cast %get3A : i32 to index
    %get3A_1 = memref.load %arg9[%get3A_0] : memref<1xi32, #tpu.memory_space<smem>>
    %dma_start3A = arith.constant 0 : i32
    %dma_start3A_2 = tpu.memref_slice %arg4[%get3A_1, %dma_start3A] : memref<64x512xf32, #tpu.memory_space<hbm>> -> memref<1x512xf32, #tpu.memory_space<hbm>>
    %dma_start3A_3 = tpu.memref_squeeze %dma_start3A_2 : memref<1x512xf32, #tpu.memory_space<hbm>> -> memref<512xf32, #tpu.memory_space<hbm>>
    tpu.enqueue_dma source(%dma_start3A_3 : memref<512xf32, #tpu.memory_space<hbm>>) target(%arg6 : memref<512xf32, #tpu.memory_space<hbm>>) target_semaphore(%arg12 : memref<!tpu.dma_semaphore, #tpu.memory_space<semaphore_mem>>)
    tpu.wait_dma2 semaphore(%arg13 : memref<!tpu.dma_semaphore, #tpu.memory_space<semaphore_mem>>) src(%arg2 : memref<1xi32, #tpu.memory_space<hbm>>) dst(%arg10 : memref<1xi32, #tpu.memory_space<smem>>)
    %get3A_4 = arith.constant 0 : i32
    %get3A_5 = arith.index_cast %get3A_4 : i32 to index
    %get3A_6 = memref.load %arg10[%get3A_5] : memref<1xi32, #tpu.memory_space<smem>>
    %dma_start3A_7 = arith.constant 0 : i32
    %dma_start3A_8 = tpu.memref_slice %arg5[%get3A_6, %dma_start3A_7] : memref<256x512xf32, #tpu.memory_space<hbm>> -> memref<1x512xf32, #tpu.memory_space<hbm>>
    %dma_start3A_9 = tpu.memref_squeeze %dma_start3A_8 : memref<1x512xf32, #tpu.memory_space<hbm>> -> memref<512xf32, #tpu.memory_space<hbm>>
    tpu.enqueue_dma source(%dma_start3A_9 : memref<512xf32, #tpu.memory_space<hbm>>) target(%arg7 : memref<512xf32, #tpu.memory_space<hbm>>) target_semaphore(%arg13 : memref<!tpu.dma_semaphore, #tpu.memory_space<semaphore_mem>>)
    tpu.wait_dma2 semaphore(%arg14 : memref<!tpu.dma_semaphore, #tpu.memory_space<semaphore_mem>>) src(%arg3 : memref<1xi32, #tpu.memory_space<hbm>>) dst(%arg11 : memref<1xi32, #tpu.memory_space<smem>>)
    %get3A_10 = arith.constant 0 : i32
    %get3A_11 = arith.index_cast %get3A_10 : i32 to index
    %get3A_12 = memref.load %arg11[%get3A_11] : memref<1xi32, #tpu.memory_space<smem>>
    %dma_start3A_13 = arith.constant 0 : i32
    %dma_start3A_14 = tpu.memref_slice %arg4[%get3A_12, %dma_start3A_13] : memref<64x512xf32, #tpu.memory_space<hbm>> -> memref<1x512xf32, #tpu.memory_space<hbm>>
    %dma_start3A_15 = tpu.memref_squeeze %dma_start3A_14 : memref<1x512xf32, #tpu.memory_space<hbm>> -> memref<512xf32, #tpu.memory_space<hbm>>
    tpu.enqueue_dma source(%dma_start3A_15 : memref<512xf32, #tpu.memory_space<hbm>>) target(%arg8 : memref<512xf32, #tpu.memory_space<hbm>>) target_semaphore(%arg14 : memref<!tpu.dma_semaphore, #tpu.memory_space<semaphore_mem>>)
    %dma_wait3A = arith.constant 0 : i32
    %dma_wait3A_16 = tpu.memref_slice %arg4[%get3A_1, %dma_wait3A] : memref<64x512xf32, #tpu.memory_space<hbm>> -> memref<1x512xf32, #tpu.memory_space<hbm>>
    %dma_wait3A_17 = tpu.memref_squeeze %dma_wait3A_16 : memref<1x512xf32, #tpu.memory_space<hbm>> -> memref<512xf32, #tpu.memory_space<hbm>>
    tpu.wait_dma2 semaphore(%arg12 : memref<!tpu.dma_semaphore, #tpu.memory_space<semaphore_mem>>) src(%dma_wait3A_17 : memref<512xf32, #tpu.memory_space<hbm>>) dst(%arg6 : memref<512xf32, #tpu.memory_space<hbm>>)
    %dma_wait3A_18 = arith.constant 0 : i32
    %dma_wait3A_19 = tpu.memref_slice %arg5[%get3A_6, %dma_wait3A_18] : memref<256x512xf32, #tpu.memory_space<hbm>> -> memref<1x512xf32, #tpu.memory_space<hbm>>
    %dma_wait3A_20 = tpu.memref_squeeze %dma_wait3A_19 : memref<1x512xf32, #tpu.memory_space<hbm>> -> memref<512xf32, #tpu.memory_space<hbm>>
    tpu.wait_dma2 semaphore(%arg13 : memref<!tpu.dma_semaphore, #tpu.memory_space<semaphore_mem>>) src(%dma_wait3A_20 : memref<512xf32, #tpu.memory_space<hbm>>) dst(%arg7 : memref<512xf32, #tpu.memory_space<hbm>>)
    %dma_wait3A_21 = arith.constant 0 : i32
    %dma_wait3A_22 = tpu.memref_slice %arg4[%get3A_12, %dma_wait3A_21] : memref<64x512xf32, #tpu.memory_space<hbm>> -> memref<1x512xf32, #tpu.memory_space<hbm>>
    %dma_wait3A_23 = tpu.memref_squeeze %dma_wait3A_22 : memref<1x512xf32, #tpu.memory_space<hbm>> -> memref<512xf32, #tpu.memory_space<hbm>>
    tpu.wait_dma2 semaphore(%arg14 : memref<!tpu.dma_semaphore, #tpu.memory_space<semaphore_mem>>) src(%dma_wait3A_23 : memref<512xf32, #tpu.memory_space<hbm>>) dst(%arg8 : memref<512xf32, #tpu.memory_space<hbm>>)
    return
  }
}

</mosaic_0001>

<sc_bundles>
// kernel: kernel.3.cloned.1.call-start
scs
__scs_entry_jumppad:
0x0: {  	(pc) =	sbr.rel $0x88, $3  }
0x1: {  	(tag) =	ssettag $0x0;
	lr =	simm.s32 $0x1  }
0x2: {  	[smem:$0x3F9C] =	sst lr;
	_ =	strace $0xD0000000  }
0x3: {  	_ = 	snop  }
0x4: {  	_ = 	snop  }
0x5: {  	_ = 	snop  }
0x6: {  	_ = 	snop  }
0x7: {  	_ = 	snop  }
__scs_overlays_trampoline_lowered:
0x8: {  	[smem:$0x3FAB] =	sst s0  }
0x9: {  	[smem:$0x3FAC] =	sst s1  }
0xa: {  	[smem:$0x3FAD] =	sst s2  }
0xb: {  	[smem:$0x3FAE] =	sst s3  }
0xc: {  	[smem:$0x3FAF] =	sst s4  }
0xd: {  	[smem:$0x3FB0] =	sst s5  }
0xe: {  	[smem:$0x3FB1] =	sst s6  }
0xf: {  	[smem:$0x3FB2] =	sst s7  }
0x10: {  	[smem:$0x3FB3] =	sst s8  }
0x11: {  	[smem:$0x3FB4] =	sst s9;
	s0 =	simm.s32 @!p0 $0x0  }
0x12: {  	s1 =	sld [smem:$0x3F9A];
	s0 =	simm.s32 @p0 $0x1  }
0x13: {  	[smem:$0x3FB5] =	sst s0;
	s0 =	simm.s32 @!p1 $0x0  }
0x14: {  	s2 =	sld [smem:$0x3F99];
	s0 =	simm.s32 @p1 $0x1  }
0x15: {  	[smem:$0x3FB6] =	sst s0;
	s0 =	simm.s32 @!p2 $0x0  }
0x16: {  	s3 =	sld [smem:$0x3FDB];
	s0 =	simm.s32 @p2 $0x1  }
0x17: {  	s4 =	simm.s32 $0x1BF5;
	[smem:$0x3FB8] =	sst s0  }
0x18: {  	s0 =	sld [smem:$0x3F9B];
	_ =	swait.ge [sflag:s4], $0x0  }
0x19: {  	s7 =	sld [smem:$0x3F9C]  }
0x1a: {  	s8 =	sadd.s32 $0xFFFFE003, lr  }
0x1b: {  	s9 =	sadd.s32 $0xFFFFFEF7, lr;
	s5 =	simm.s32 $0xFFFFFFFF;
	p2 =	slt.u32 s8, $0xFFFFF086  }
0x1c: {  	p1 =	slt.u32 s9, $0xF7A;
	s5 =	simm.s32 @!p2 $0x0  }
0x1d: {  	s5 =	simm.s32 @p1 $0x1;
	p0 =	seq.s32 s7, s2  }
0x1e: {  	s7 =	smul.u32 @!p0 $0xF7A, s2;
	p2 =	seq.s32 @!p0 s5, $0x0  }
0x1f: {  	s9 =	smul.u32 $0xF7A, s1;
	s8 =	simm.s32 @!p0 $0x1BF5;
	p2 =	por !p2, p0  }
0x20: {  	[sflag:s8] =	ssyncset.s32 @!p0 $0xFFFFF086;
	s6 =	sadd.s32 @!p0 s3, s7;
	s7 =	simm.s32 @!p0 $0x108  }
0x21: {  	s3 =	sadd.s32 s3, s9;
	s6 =	sadd.s32 @!p0 $0x88, s6;
	s7 =	simm.s32 @p2 $0x1082  }
0x22: {  	[simem:s7], [sflag:s8] =	dma.local @!p0 [hbm:s6], $0xF7A  }
0x23: {  	s9 =	sor.u32 $0xD0000000, s2;
	s6 =	simm.s32 $0x108;
	_ =	swait.ge @!p0 [sflag:s8], $0x0  }
0x24: {  	s3 =	sadd.s32 $0x88, s3;
	s6 =	simm.s32 @!p1 $0x1082;
	[sflag:s4] =	ssyncset.s32 $0xFFFFF086  }
0x25: {  	[simem:s6], [sflag:s4] =	dma.local [hbm:s3], $0xF7A  }
0x26: {  	[smem:$0x3F9C] =	sst s1;
	(tag) =	ssettag s2;
	_ =	strace s9  }
0x27: {  	s1 =	sld [smem:$0x3FAC]  }
0x28: {  	s2 =	sld [smem:$0x3FAD]  }
0x29: {  	s4 =	sld [smem:$0x3FAF]  }
0x2a: {  	p0 =	seq.s32 s5, $0x0;
	s5 =	sld [smem:$0x3FB0]  }
0x2b: {  	s6 =	sld [smem:$0x3FB1]  }
0x2c: {  	s7 =	sld [smem:$0x3FB2]  }
0x2d: {  	s3 =	simm.s32 $0x108;
	s8 =	sld [smem:$0x3FB3]  }
0x2e: {  	s3 =	simm.s32 @!p0 $0x1082;
	s9 =	sld [smem:$0x3FB4]  }
0x2f: {  	lr =	sadd.s32 s0, s3;
	s0 =	sld [smem:$0x3FAB]  }
0x30: {  	s3 =	sld [smem:$0x3FAE]  }
0x31: {  	[smem:$0x3FB7] =	sst s10  }
0x32: {  	s10 =	sld [smem:$0x3FB5];
	_ =	sdelay $0x3  }
0x33: {  	p0 =	seq.s32 s10, $0x1;
	s10 =	sld [smem:$0x3FB7];
	_ =	sdelay $0x3  }
0x34: {  	[smem:$0x3FB7] =	sst s10  }
0x35: {  	s10 =	sld [smem:$0x3FB6];
	_ =	sdelay $0x3  }
0x36: {  	p1 =	seq.s32 s10, $0x1;
	s10 =	sld [smem:$0x3FB7];
	_ =	sdelay $0x3  }
0x37: {  	[smem:$0x3FB7] =	sst s10  }
0x38: {  	s10 =	sld [smem:$0x3FB8]  }
0x39: {  	_ = 	snop;
	(pc) =	sbr.ind lr, $3  }
0x3a: {  	_ = 	snop  }
0x3b: {  	_ = 	snop  }
0x3c: {  	p2 =	seq.s32 s10, $0x1;
	s10 =	sld [smem:$0x3FB7]  }
0x3d: {  	_ =	shalt  }
0x3e: {  	_ =	shalt  }
0x3f: {  	_ =	shalt  }
0x40: {  	_ =	shalt  }
0x41: {  	_ =	shalt  }
0x42: {  	_ =	shalt  }
0x43: {  	_ =	shalt  }
0x44: {  	_ =	shalt  }
0x45: {  	_ =	shalt  }
0x46: {  	_ =	shalt  }
0x47: {  	_ =	shalt  }
0x48: {  	_ =	shalt  }
0x49: {  	_ =	shalt  }
0x4a: {  	_ =	shalt  }
0x4b: {  	_ =	shalt  }
0x4c: {  	_ =	shalt  }
0x4d: {  	_ =	shalt  }
0x4e: {  	_ =	shalt  }
0x4f: {  	_ =	shalt  }
0x50: {  	_ =	shalt  }
0x51: {  	_ =	shalt  }
0x52: {  	_ =	shalt  }
0x53: {  	_ =	shalt  }
0x54: {  	_ =	shalt  }
0x55: {  	_ =	shalt  }
0x56: {  	_ =	shalt  }
0x57: {  	_ =	shalt  }
0x58: {  	_ =	shalt  }
0x59: {  	_ =	shalt  }
0x5a: {  	_ =	shalt  }
0x5b: {  	_ =	shalt  }
0x5c: {  	_ =	shalt  }
0x5d: {  	_ =	shalt  }
0x5e: {  	_ =	shalt  }
0x5f: {  	_ =	shalt  }
0x60: {  	_ =	shalt  }
0x61: {  	_ =	shalt  }
0x62: {  	_ =	shalt  }
0x63: {  	_ =	shalt  }
0x64: {  	_ =	shalt  }
0x65: {  	_ =	shalt  }
0x66: {  	_ =	shalt  }
0x67: {  	_ =	shalt  }
0x68: {  	_ =	shalt  }
0x69: {  	_ =	shalt  }
0x6a: {  	_ =	shalt  }
0x6b: {  	_ =	shalt  }
0x6c: {  	_ =	shalt  }
0x6d: {  	_ =	shalt  }
0x6e: {  	_ =	shalt  }
0x6f: {  	_ =	shalt  }
0x70: {  	_ =	shalt  }
0x71: {  	_ =	shalt  }
0x72: {  	_ =	shalt  }
0x73: {  	_ =	shalt  }
0x74: {  	_ =	shalt  }
0x75: {  	_ =	shalt  }
0x76: {  	_ =	shalt  }
0x77: {  	_ =	shalt  }
0x78: {  	_ =	shalt  }
0x79: {  	_ =	shalt  }
0x7a: {  	_ =	shalt  }
0x7b: {  	_ =	shalt  }
0x7c: {  	_ =	shalt  }
0x7d: {  	_ =	shalt  }
0x7e: {  	_ =	shalt  }
0x7f: {  	_ =	shalt  }
0x80: {  	_ =	shalt  }
0x81: {  	_ =	shalt  }
0x82: {  	_ =	shalt  }
0x83: {  	_ =	shalt  }
0x84: {  	_ =	shalt  }
0x85: {  	_ =	shalt  }
0x86: {  	_ =	shalt  }
0x87: {  	_ =	shalt  }
.Lfunc_end0:
.L_simem_size_0:
called_computation_lowered:
.L_overlay_start_0:
0x88: {  	s0 =	sld [smem:$0x3FD9]  }
0x89: {  	s1 =	sld [smem:$0x3FFE];
	_ =	sdelay $0x3  }
0x8a: {  	s0 =	sadd.s32 s1, s0  }
0x8b: {  	[smem:$0x3FC3] =	sst s0  }
0x8c: {  	_ = 	snop  }
0x8d: {  	s2 =	sld [smem:$0x3FC9]  }
0x8e: {  	s3 =	sld [smem:$0x3FC8]  }
0x8f: {  	s29 =	sld [smem:$0x3FD0]  }
0x90: {  	s4 =	sld [smem:$0x3FC7]  }
0x91: {  	s0 =	sld [smem:$0x3FC6]  }
0x92: {  	s6 =	simm.s32 $0xC;
	s7 =	simm.s32 $0x190;
	s5 =	sld [smem:$0x3FC5]  }
0x93: {  	[smem:s7], [sflag:s6] =	dma.local [hbm:s29], $0x1  }
0x94: {  	_ =	swait.eq [sflag:s6], $0x1  }
0x95: {  	s30 =	sld [smem:$0x190]  }
0x96: {  	[sflag:s6] =	ssyncset.done $0x0;
	s8 =	sld [smem:$0x191]  }
0x97: {  	s12 =	simm.s32 $0x0;
	s31 =	sld [smem:$0x192];
	[sflag:s6] =	ssyncadd.s32 $0xFFFFFFFF  }
0x98: {  	[smem:$0xF] =	sst s12  }
0x99: {  	(tm) =	ssettm $0x1  }
0x9a: {  	s13 =	sld [smem:$0x3FFB];
	_ =	sdelay $0x3  }
0x9b: {  	_ =	strace s13  }
0x9c: {  	s6 =	sld [smem:$0x3FFC];
	_ =	sdelay $0x3  }
0x9d: {  	_ =	strace s6  }
0x9e: {  	s6 =	sld [smem:$0x3FFD];
	_ =	sdelay $0x3  }
0x9f: {  	_ =	strace s6  }
0xa0: {  	s14 =	simm.s32 $0x1B8B;
	_ =	strace $0x8FFFFFFF  }
0xa1: {  	_ =	swait.ge [sflag:s14], $0x1  }
0xa2: {  	s15 =	simm.s32 $0x1B8E;
	[sflag:s14] =	ssyncset.done $0x0  }
0xa3: {  	s16 =	simm.s32 $0x9;
	s9 =	simm.s32 $0x10;
	[sflag:s14] =	ssyncadd.s32 $0xFFFFFFFF  }
0xa4: {  	s17 =	simm.s32 $0xA;
	s10 =	simm.s32 $0x90;
	[smem:$0x3FD2] =	sst s15  }
0xa5: {  	s18 =	simm.s32 $0xB;
	s19 =	simm.s32 $0x110;
	_ =	strace $0x80000046  }
0xa6: {  	[smem:s9], [sflag:s16] =	dma.local [hbm:s2], $0x10  }
0xa7: {  	[smem:s10], [sflag:s17] =	dma.local [hbm:s3], $0x10  }
0xa8: {  	[smem:s19], [sflag:s18] =	dma.local [hbm:s4], $0x10  }
0xa9: {  	_ =	swait.ge [sflag:s16], $0x10  }
0xaa: {  	[sflag:s16] =	ssyncset.done $0x0  }
0xab: {  	[sflag:s16] =	ssyncadd.s32 $0xFFFFFFF0  }
0xac: {  	s20 =	sld [smem:$0x10];
	_ =	sdelay $0x3  }
0xad: {  	s21 =	sshll.u32 s20, $0x9;
	s4 =	sshll.u32 s20, $0x7  }
0xae: {  	s10 =	sand.u32 $0xFFFFF000, s21;
	s4 =	sand.u32 $0x380, s4  }
0xaf: {  	s4 =	sor.u32 s4, s10  }
0xb0: {  	s4 =	sshrl.u32 s4, $0x3  }
0xb1: {  	s22 =	simm.s32 $0x1;
	s11 =	simm.s32 $0x80;
	s4 =	sadd.s32 s0, s4  }
0xb2: {  	[hbm:s30@s9], [sflag:s16] =	dma.strided [hbm:s4@s11], $0x40, s22, $0x10   }
0xb3: {  	_ =	swait.ge [sflag:s17], $0x10  }
0xb4: {  	[sflag:s17] =	ssyncset.done $0x0  }
0xb5: {  	[sflag:s17] =	ssyncadd.s32 $0xFFFFFFF0  }
0xb6: {  	s23 =	sld [smem:$0x90];
	_ =	sdelay $0x3  }
0xb7: {  	s24 =	sshll.u32 s23, $0x9;
	s4 =	sshll.u32 s23, $0x7  }
0xb8: {  	s7 =	sand.u32 $0xFFFFF000, s24;
	s4 =	sand.u32 $0x380, s4  }
0xb9: {  	s4 =	sor.u32 s4, s7  }
0xba: {  	s4 =	sshrl.u32 s4, $0x3  }
0xbb: {  	s4 =	sadd.s32 s5, s4  }
0xbc: {  	[hbm:s8@s9], [sflag:s17] =	dma.strided [hbm:s4@s11], $0x40, s22, $0x10   }
0xbd: {  	_ =	swait.ge [sflag:s18], $0x10  }
0xbe: {  	[sflag:s18] =	ssyncset.done $0x0  }
0xbf: {  	[sflag:s18] =	ssyncadd.s32 $0xFFFFFFF0  }
0xc0: {  	s25 =	sld [smem:$0x110];
	_ =	sdelay $0x3  }
0xc1: {  	s26 =	sshll.u32 s25, $0x9;
	s4 =	sshll.u32 s25, $0x7  }
0xc2: {  	s5 =	sand.u32 $0xFFFFF000, s26;
	s4 =	sand.u32 $0x380, s4  }
0xc3: {  	s4 =	sor.u32 s4, s5  }
0xc4: {  	s4 =	sshrl.u32 s4, $0x3  }
0xc5: {  	s0 =	sadd.s32 s0, s4  }
0xc6: {  	[hbm:s31@s9], [sflag:s18] =	dma.strided [hbm:s0@s11], $0x40, s22, $0x10   }
0xc7: {  	_ =	swait.ge [sflag:s16], $0x40  }
0xc8: {  	[sflag:s16] =	ssyncset.done $0x0  }
0xc9: {  	[sflag:s16] =	ssyncadd.s32 $0xFFFFFFC0;
	_ =	sdelay $0x2  }
0xca: {  	_ =	swait.ge [sflag:s17], $0x40  }
0xcb: {  	[sflag:s17] =	ssyncset.done $0x0  }
0xcc: {  	[sflag:s17] =	ssyncadd.s32 $0xFFFFFFC0;
	_ =	sdelay $0x2  }
0xcd: {  	_ =	swait.ge [sflag:s18], $0x40  }
0xce: {  	[sflag:s18] =	ssyncset.done $0x0  }
0xcf: {  	[sflag:s18] =	ssyncadd.s32 $0xFFFFFFC0  }
0xd0: {  	_ =	strace $0x90000046  }
0xd1: {  	_ =	sfence  }
0xd2: {  	s28 =	sld [smem:$0x0];
	_ =	sdelay $0x1  }
0xd3: {  	s29 =	srdreg.scid  }
0xd4: {  	s30 =	sshll.u32 s29, $0xD;
	s31 =	sshrl.u32 s29, $0x2  }
0xd5: {  	s1 =	sand.u32 $0x1, s29;
	s2 =	sand.u32 $0x4000, s30;
	s0 =	sadd.s32 s31, s28  }
0xd6: {  	s1 =	sor.u32 s2, s1;
	s0 =	sshll.u32 s0, $0x11  }
0xd7: {  	s0 =	sor.u32 s0, s1  }
0xd8: {  	s0 =	sadd.s32 $0x8F2B, s0;
	(pc) =	sbr.abs _section_cstart, $3  }
0xd9: {  	[sflag:s0] =	ssyncadd.remote.s32 $0x1  }
0xda: {  	_ =	strace $0x9FFFFFFF  }
0xdb: {  	(tm) =	ssettm $0x7FFFFFFF  }

</sc_bundles>
